<compile_context>
chip_gen: v7x
topology: tpu7x:2x2x1
jax: 0.10.2.dev20260603
libtpu: 0.0.44.dev20260713+nightly
codegen_flags: <defaults>
</compile_context>

<pallas_src>
import functools

import jax
import jax.numpy as jnp
from jax import lax
from jax.experimental import pallas as pl
from jax.experimental.pallas import tpu as pltpu
from jax.experimental.pallas import tpu_sc as plsc

_B = 4096
_E = 1000
_NW = 32
_RPW = _B // _NW


def _make_at_gather():
    mesh = plsc.VectorSubcoreMesh(core_axis_name="c", subcore_axis_name="s")

    @functools.partial(
        pl.kernel,
        mesh=mesh,
        out_type=jax.ShapeDtypeStruct((_B,), jnp.float32),
        scratch_types=[
            pltpu.VMEM((_RPW,), jnp.int32),
            pltpu.VMEM((_RPW,), jnp.int32),
            pltpu.VMEM((_RPW,), jnp.float32),
            pltpu.SemaphoreType.DMA,
        ],
    )
    def at_gather(outflat_hbm, tgt_hbm, at_hbm, tgt_v, idx_v, at_v, sem):
        wid = lax.axis_index("s") * 2 + lax.axis_index("c")
        base = wid * _RPW
        pltpu.sync_copy(tgt_hbm.at[pl.ds(base, _RPW)], tgt_v)
        for c in range(_RPW // 16):
            t = tgt_v[pl.ds(c * 16, 16)]
            cols = base + c * 16 + lax.iota(jnp.int32, 16)
            idx_v[pl.ds(c * 16, 16)] = t * _B + cols
        pltpu.async_copy(outflat_hbm.at[idx_v], at_v, sem).wait()
        pltpu.sync_copy(at_v, at_hbm.at[pl.ds(base, _RPW)])

    return at_gather


_AT_GATHER = _make_at_gather()


def kernel(output, target):
    flat = output.T.reshape(_B * _E)
    at = _AT_GATHER(flat, target.astype(jnp.int32))
    return at[0]

# --- scband reference (transcript-rebuilt; emitter-appended) ---
"""Pipeline reference for scband-spread-loss-1348619731475 (READ-ONLY COPY).

The authoritative reference and input builder live on the scoring server;
editing this copy changes nothing except your own understanding.
"""

import jax, jax.numpy as jnp
import numpy as np

B = 4096
NUM_CLASSES = 1000
M_MIN = 0.1
M_MAX = 0.9


def setup_inputs(seed: int = 0) -> dict:
    key = jax.random.key(seed)
    k1, k2 = jax.random.split(key)
    output = jax.random.normal(k1, (B, NUM_CLASSES), dtype=jnp.float32)
    target = jax.random.randint(k2, (B,), 0, NUM_CLASSES, dtype=jnp.int32)
    return {"output": output, "target": target}


def reference(output, target):
    b, E = output.shape
    r = 1.0
    margin = M_MIN + (M_MAX - M_MIN) * r
    # gather the activation of the ground-truth class (equivalent of masked_select with one-hot mask)
    at = jnp.take_along_axis(output, target[:, None].astype(jnp.int32), axis=1)  # [b, 1]
    at = jnp.broadcast_to(at, (b, NUM_CLASSES))  # repeat(1, num_classes)
    loss = jax.nn.relu(margin - (at - output))
    loss = loss ** 2
    loss = loss.sum() / b
    return loss

if __name__ == "__main__":
    import jax
    _d = setup_inputs()
    print(jax.jit(kernel)(*tuple(_d.values())))

</pallas_src>

<mosaic_0001>
#map = affine_map<(d0, d1) -> (0)>
module attributes {stable_mosaic.version = 14 : i64} {
  func.func @at_gather(%arg0: i32, %arg1: i32, %arg2: memref<4096000xf32, #tpu.memory_space<hbm>>, %arg3: memref<4096xi32, #tpu.memory_space<hbm>>, %arg4: memref<4096xf32, #tpu.memory_space<hbm>>, %arg5: memref<128xi32, #tpu.memory_space<vmem>>, %arg6: memref<128xi32, #tpu.memory_space<vmem>>, %arg7: memref<128xf32, #tpu.memory_space<vmem>>, %arg8: memref<!tpu.dma_semaphore, #tpu.memory_space<semaphore_mem>>) attributes {dimension_semantics = [#tpu.dimension_semantics<core_parallel>, #tpu.dimension_semantics<subcore_parallel>], iteration_bounds = array<i64: 2, 16>, scalar_prefetch = 0 : i64, scratch_operands = 4 : i64, tpu.core_type = #tpu.core_type<sc_vector_subcore>, window_params = [{transform_indices = #map}, {transform_indices = #map}, {transform_indices = #map}]} {
    %mul3A = arith.constant 2 : i32
    %mul3A_0 = arith.muli %arg1, %mul3A : i32
    %add3A = arith.addi %mul3A_0, %arg0 : i32
    %mul3A_1 = arith.constant 128 : i32
    %mul3A_2 = arith.muli %add3A, %mul3A_1 : i32
    "tpu.region"() ({
      %run_scoped3A = tpu.sem_alloc : memref<!tpu.dma_semaphore, #tpu.memory_space<semaphore_mem>>
      %dma_start3A_130 = tpu.memref_slice %arg3[%mul3A_2] : memref<4096xi32, #tpu.memory_space<hbm>> -> memref<128xi32, #tpu.memory_space<hbm>>
      %dma_start3A_131 = tpu.memref_slice %arg3[%mul3A_2] : memref<4096xi32, #tpu.memory_space<hbm>> -> memref<128xi32, #tpu.memory_space<hbm>>
      tpu.enqueue_dma source(%dma_start3A_131 : memref<128xi32, #tpu.memory_space<hbm>>) target(%arg5 : memref<128xi32, #tpu.memory_space<vmem>>) target_semaphore(%run_scoped3A : memref<!tpu.dma_semaphore, #tpu.memory_space<semaphore_mem>>)
      %dma_wait3A_132 = tpu.memref_slice %arg3[%mul3A_2] : memref<4096xi32, #tpu.memory_space<hbm>> -> memref<128xi32, #tpu.memory_space<hbm>>
      %dma_wait3A_133 = tpu.memref_slice %arg3[%mul3A_2] : memref<4096xi32, #tpu.memory_space<hbm>> -> memref<128xi32, #tpu.memory_space<hbm>>
      tpu.wait_dma2 semaphore(%run_scoped3A : memref<!tpu.dma_semaphore, #tpu.memory_space<semaphore_mem>>) src(%dma_wait3A_133 : memref<128xi32, #tpu.memory_space<hbm>>) dst(%arg5 : memref<128xi32, #tpu.memory_space<vmem>>)
      tpu.yield
    }) : () -> ()
    %get3A = arith.constant 0 : index
    %get3A_3 = tpu.vector_load %arg5[%get3A] {strides = array<i32>} : memref<128xi32, #tpu.memory_space<vmem>>, vector<16xi32>,
    %get3A_4 = vector.shape_cast %get3A_3 : vector<16xi32> to vector<16xi32>
    %add3A_5 = arith.constant 0 : i32
    %add3A_6 = arith.addi %mul3A_2, %add3A_5 : i32
    %iota3A = tpu.iota {dimensions = array<i32: 0>} : vector<16xi32>
    %add3A_7 = vector.broadcast %add3A_6 : i32 to vector<16xi32>
    %add3A_8 = arith.addi %add3A_7, %iota3A : vector<16xi32>
    %mul3A_9 = arith.constant 4096 : i32
    %mul3A_10 = vector.broadcast %mul3A_9 : i32 to vector<16xi32>
    %mul3A_11 = arith.muli %get3A_4, %mul3A_10 : vector<16xi32>
    %add3A_12 = arith.addi %mul3A_11, %add3A_8 : vector<16xi32>
    %swap3A = arith.constant 0 : index
    %swap3A_13 = tpu.vector_load %arg6[%swap3A] {strides = array<i32>} : memref<128xi32, #tpu.memory_space<vmem>>, vector<16xi32>,
    %swap3A_14 = vector.shape_cast %swap3A_13 : vector<16xi32> to vector<16xi32>
    %swap3A_15 = vector.shape_cast %add3A_12 : vector<16xi32> to vector<16xi32>
    tpu.vector_store %arg6[%swap3A], %swap3A_15 {strides = array<i32>} : memref<128xi32, #tpu.memory_space<vmem>>, vector<16xi32>,
    %get3A_16 = arith.constant 16 : index
    %get3A_17 = tpu.vector_load %arg5[%get3A_16] {strides = array<i32>} : memref<128xi32, #tpu.memory_space<vmem>>, vector<16xi32>,
    %get3A_18 = vector.shape_cast %get3A_17 : vector<16xi32> to vector<16xi32>
    %add3A_19 = arith.constant 16 : i32
    %add3A_20 = arith.addi %mul3A_2, %add3A_19 : i32
    %iota3A_21 = tpu.iota {dimensions = array<i32: 0>} : vector<16xi32>
    %add3A_22 = vector.broadcast %add3A_20 : i32 to vector<16xi32>
    %add3A_23 = arith.addi %add3A_22, %iota3A_21 : vector<16xi32>
    %mul3A_24 = arith.constant 4096 : i32
    %mul3A_25 = vector.broadcast %mul3A_24 : i32 to vector<16xi32>
    %mul3A_26 = arith.muli %get3A_18, %mul3A_25 : vector<16xi32>
    %add3A_27 = arith.addi %mul3A_26, %add3A_23 : vector<16xi32>
    %swap3A_28 = arith.constant 16 : index
    %swap3A_29 = tpu.vector_load %arg6[%swap3A_28] {strides = array<i32>} : memref<128xi32, #tpu.memory_space<vmem>>, vector<16xi32>,
    %swap3A_30 = vector.shape_cast %swap3A_29 : vector<16xi32> to vector<16xi32>
    %swap3A_31 = vector.shape_cast %add3A_27 : vector<16xi32> to vector<16xi32>
    tpu.vector_store %arg6[%swap3A_28], %swap3A_31 {strides = array<i32>} : memref<128xi32, #tpu.memory_space<vmem>>, vector<16xi32>,
    %get3A_32 = arith.constant 32 : index
    %get3A_33 = tpu.vector_load %arg5[%get3A_32] {strides = array<i32>} : memref<128xi32, #tpu.memory_space<vmem>>, vector<16xi32>,
    %get3A_34 = vector.shape_cast %get3A_33 : vector<16xi32> to vector<16xi32>
    %add3A_35 = arith.constant 32 : i32
    %add3A_36 = arith.addi %mul3A_2, %add3A_35 : i32
    %iota3A_37 = tpu.iota {dimensions = array<i32: 0>} : vector<16xi32>
    %add3A_38 = vector.broadcast %add3A_36 : i32 to vector<16xi32>
    %add3A_39 = arith.addi %add3A_38, %iota3A_37 : vector<16xi32>
    %mul3A_40 = arith.constant 4096 : i32
    %mul3A_41 = vector.broadcast %mul3A_40 : i32 to vector<16xi32>
    %mul3A_42 = arith.muli %get3A_34, %mul3A_41 : vector<16xi32>
    %add3A_43 = arith.addi %mul3A_42, %add3A_39 : vector<16xi32>
    %swap3A_44 = arith.constant 32 : index
    %swap3A_45 = tpu.vector_load %arg6[%swap3A_44] {strides = array<i32>} : memref<128xi32, #tpu.memory_space<vmem>>, vector<16xi32>,
    %swap3A_46 = vector.shape_cast %swap3A_45 : vector<16xi32> to vector<16xi32>
    %swap3A_47 = vector.shape_cast %add3A_43 : vector<16xi32> to vector<16xi32>
    tpu.vector_store %arg6[%swap3A_44], %swap3A_47 {strides = array<i32>} : memref<128xi32, #tpu.memory_space<vmem>>, vector<16xi32>,
    %get3A_48 = arith.constant 48 : index
    %get3A_49 = tpu.vector_load %arg5[%get3A_48] {strides = array<i32>} : memref<128xi32, #tpu.memory_space<vmem>>, vector<16xi32>,
    %get3A_50 = vector.shape_cast %get3A_49 : vector<16xi32> to vector<16xi32>
    %add3A_51 = arith.constant 48 : i32
    %add3A_52 = arith.addi %mul3A_2, %add3A_51 : i32
    %iota3A_53 = tpu.iota {dimensions = array<i32: 0>} : vector<16xi32>
    %add3A_54 = vector.broadcast %add3A_52 : i32 to vector<16xi32>
    %add3A_55 = arith.addi %add3A_54, %iota3A_53 : vector<16xi32>
    %mul3A_56 = arith.constant 4096 : i32
    %mul3A_57 = vector.broadcast %mul3A_56 : i32 to vector<16xi32>
    %mul3A_58 = arith.muli %get3A_50, %mul3A_57 : vector<16xi32>
    %add3A_59 = arith.addi %mul3A_58, %add3A_55 : vector<16xi32>
    %swap3A_60 = arith.constant 48 : index
    %swap3A_61 = tpu.vector_load %arg6[%swap3A_60] {strides = array<i32>} : memref<128xi32, #tpu.memory_space<vmem>>, vector<16xi32>,
    %swap3A_62 = vector.shape_cast %swap3A_61 : vector<16xi32> to vector<16xi32>
    %swap3A_63 = vector.shape_cast %add3A_59 : vector<16xi32> to vector<16xi32>
    tpu.vector_store %arg6[%swap3A_60], %swap3A_63 {strides = array<i32>} : memref<128xi32, #tpu.memory_space<vmem>>, vector<16xi32>,
    %get3A_64 = arith.constant 64 : index
    %get3A_65 = tpu.vector_load %arg5[%get3A_64] {strides = array<i32>} : memref<128xi32, #tpu.memory_space<vmem>>, vector<16xi32>,
    %get3A_66 = vector.shape_cast %get3A_65 : vector<16xi32> to vector<16xi32>
    %add3A_67 = arith.constant 64 : i32
    %add3A_68 = arith.addi %mul3A_2, %add3A_67 : i32
    %iota3A_69 = tpu.iota {dimensions = array<i32: 0>} : vector<16xi32>
    %add3A_70 = vector.broadcast %add3A_68 : i32 to vector<16xi32>
    %add3A_71 = arith.addi %add3A_70, %iota3A_69 : vector<16xi32>
    %mul3A_72 = arith.constant 4096 : i32
    %mul3A_73 = vector.broadcast %mul3A_72 : i32 to vector<16xi32>
    %mul3A_74 = arith.muli %get3A_66, %mul3A_73 : vector<16xi32>
    %add3A_75 = arith.addi %mul3A_74, %add3A_71 : vector<16xi32>
    %swap3A_76 = arith.constant 64 : index
    %swap3A_77 = tpu.vector_load %arg6[%swap3A_76] {strides = array<i32>} : memref<128xi32, #tpu.memory_space<vmem>>, vector<16xi32>,
    %swap3A_78 = vector.shape_cast %swap3A_77 : vector<16xi32> to vector<16xi32>
    %swap3A_79 = vector.shape_cast %add3A_75 : vector<16xi32> to vector<16xi32>
    tpu.vector_store %arg6[%swap3A_76], %swap3A_79 {strides = array<i32>} : memref<128xi32, #tpu.memory_space<vmem>>, vector<16xi32>,
    %get3A_80 = arith.constant 80 : index
    %get3A_81 = tpu.vector_load %arg5[%get3A_80] {strides = array<i32>} : memref<128xi32, #tpu.memory_space<vmem>>, vector<16xi32>,
    %get3A_82 = vector.shape_cast %get3A_81 : vector<16xi32> to vector<16xi32>
    %add3A_83 = arith.constant 80 : i32
    %add3A_84 = arith.addi %mul3A_2, %add3A_83 : i32
    %iota3A_85 = tpu.iota {dimensions = array<i32: 0>} : vector<16xi32>
    %add3A_86 = vector.broadcast %add3A_84 : i32 to vector<16xi32>
    %add3A_87 = arith.addi %add3A_86, %iota3A_85 : vector<16xi32>
    %mul3A_88 = arith.constant 4096 : i32
    %mul3A_89 = vector.broadcast %mul3A_88 : i32 to vector<16xi32>
    %mul3A_90 = arith.muli %get3A_82, %mul3A_89 : vector<16xi32>
    %add3A_91 = arith.addi %mul3A_90, %add3A_87 : vector<16xi32>
    %swap3A_92 = arith.constant 80 : index
    %swap3A_93 = tpu.vector_load %arg6[%swap3A_92] {strides = array<i32>} : memref<128xi32, #tpu.memory_space<vmem>>, vector<16xi32>,
    %swap3A_94 = vector.shape_cast %swap3A_93 : vector<16xi32> to vector<16xi32>
    %swap3A_95 = vector.shape_cast %add3A_91 : vector<16xi32> to vector<16xi32>
    tpu.vector_store %arg6[%swap3A_92], %swap3A_95 {strides = array<i32>} : memref<128xi32, #tpu.memory_space<vmem>>, vector<16xi32>,
    %get3A_96 = arith.constant 96 : index
    %get3A_97 = tpu.vector_load %arg5[%get3A_96] {strides = array<i32>} : memref<128xi32, #tpu.memory_space<vmem>>, vector<16xi32>,
    %get3A_98 = vector.shape_cast %get3A_97 : vector<16xi32> to vector<16xi32>
    %add3A_99 = arith.constant 96 : i32
    %add3A_100 = arith.addi %mul3A_2, %add3A_99 : i32
    %iota3A_101 = tpu.iota {dimensions = array<i32: 0>} : vector<16xi32>
    %add3A_102 = vector.broadcast %add3A_100 : i32 to vector<16xi32>
    %add3A_103 = arith.addi %add3A_102, %iota3A_101 : vector<16xi32>
    %mul3A_104 = arith.constant 4096 : i32
    %mul3A_105 = vector.broadcast %mul3A_104 : i32 to vector<16xi32>
    %mul3A_106 = arith.muli %get3A_98, %mul3A_105 : vector<16xi32>
    %add3A_107 = arith.addi %mul3A_106, %add3A_103 : vector<16xi32>
    %swap3A_108 = arith.constant 96 : index
    %swap3A_109 = tpu.vector_load %arg6[%swap3A_108] {strides = array<i32>} : memref<128xi32, #tpu.memory_space<vmem>>, vector<16xi32>,
    %swap3A_110 = vector.shape_cast %swap3A_109 : vector<16xi32> to vector<16xi32>
    %swap3A_111 = vector.shape_cast %add3A_107 : vector<16xi32> to vector<16xi32>
    tpu.vector_store %arg6[%swap3A_108], %swap3A_111 {strides = array<i32>} : memref<128xi32, #tpu.memory_space<vmem>>, vector<16xi32>,
    %get3A_112 = arith.constant 112 : index
    %get3A_113 = tpu.vector_load %arg5[%get3A_112] {strides = array<i32>} : memref<128xi32, #tpu.memory_space<vmem>>, vector<16xi32>,
    %get3A_114 = vector.shape_cast %get3A_113 : vector<16xi32> to vector<16xi32>
    %add3A_115 = arith.constant 112 : i32
    %add3A_116 = arith.addi %mul3A_2, %add3A_115 : i32
    %iota3A_117 = tpu.iota {dimensions = array<i32: 0>} : vector<16xi32>
    %add3A_118 = vector.broadcast %add3A_116 : i32 to vector<16xi32>
    %add3A_119 = arith.addi %add3A_118, %iota3A_117 : vector<16xi32>
    %mul3A_120 = arith.constant 4096 : i32
    %mul3A_121 = vector.broadcast %mul3A_120 : i32 to vector<16xi32>
    %mul3A_122 = arith.muli %get3A_114, %mul3A_121 : vector<16xi32>
    %add3A_123 = arith.addi %mul3A_122, %add3A_119 : vector<16xi32>
    %swap3A_124 = arith.constant 112 : index
    %swap3A_125 = tpu.vector_load %arg6[%swap3A_124] {strides = array<i32>} : memref<128xi32, #tpu.memory_space<vmem>>, vector<16xi32>,
    %swap3A_126 = vector.shape_cast %swap3A_125 : vector<16xi32> to vector<16xi32>
    %swap3A_127 = vector.shape_cast %add3A_123 : vector<16xi32> to vector<16xi32>
    tpu.vector_store %arg6[%swap3A_124], %swap3A_127 {strides = array<i32>} : memref<128xi32, #tpu.memory_space<vmem>>, vector<16xi32>,
    %dma_start3A = arith.constant 0 : i32
    %dma_start3A_128 = tpu.memref_slice %arg2[%dma_start3A] : memref<4096000xf32, #tpu.memory_space<hbm>> -> memref<4096000xf32, #tpu.memory_space<hbm>>
    tpu.enqueue_indirect_dma source(%dma_start3A_128 : memref<4096000xf32, #tpu.memory_space<hbm>>) target(%arg7 : memref<128xf32, #tpu.memory_space<vmem>>) offsets(%arg6 : memref<128xi32, #tpu.memory_space<vmem>>) semaphore(%arg8 : memref<!tpu.dma_semaphore, #tpu.memory_space<semaphore_mem>>)
    %dma_wait3A = arith.constant 0 : i32
    %dma_wait3A_129 = tpu.memref_slice %arg2[%dma_wait3A] : memref<4096000xf32, #tpu.memory_space<hbm>> -> memref<4096000xf32, #tpu.memory_space<hbm>>
    tpu.wait_indirect_dma semaphore(%arg8 : memref<!tpu.dma_semaphore, #tpu.memory_space<semaphore_mem>>) src(%dma_wait3A_129 : memref<4096000xf32, #tpu.memory_space<hbm>>) dst(%arg7 : memref<128xf32, #tpu.memory_space<vmem>>)
    "tpu.region"() ({
      %run_scoped3A = tpu.sem_alloc : memref<!tpu.dma_semaphore, #tpu.memory_space<semaphore_mem>>
      %dma_start3A_130 = tpu.memref_slice %arg4[%mul3A_2] : memref<4096xf32, #tpu.memory_space<hbm>> -> memref<128xf32, #tpu.memory_space<hbm>>
      %dma_start3A_131 = tpu.memref_slice %arg4[%mul3A_2] : memref<4096xf32, #tpu.memory_space<hbm>> -> memref<128xf32, #tpu.memory_space<hbm>>
      tpu.enqueue_dma source(%arg7 : memref<128xf32, #tpu.memory_space<vmem>>) target(%dma_start3A_131 : memref<128xf32, #tpu.memory_space<hbm>>) target_semaphore(%run_scoped3A : memref<!tpu.dma_semaphore, #tpu.memory_space<semaphore_mem>>)
      %dma_wait3A_132 = tpu.memref_slice %arg4[%mul3A_2] : memref<4096xf32, #tpu.memory_space<hbm>> -> memref<128xf32, #tpu.memory_space<hbm>>
      %dma_wait3A_133 = tpu.memref_slice %arg4[%mul3A_2] : memref<4096xf32, #tpu.memory_space<hbm>> -> memref<128xf32, #tpu.memory_space<hbm>>
      tpu.wait_dma2 semaphore(%run_scoped3A : memref<!tpu.dma_semaphore, #tpu.memory_space<semaphore_mem>>) src(%arg7 : memref<128xf32, #tpu.memory_space<vmem>>) dst(%dma_wait3A_133 : memref<128xf32, #tpu.memory_space<hbm>>)
      tpu.yield
    }) : () -> ()
    return
  }
}

</mosaic_0001>

<sc_bundles>
// kernel: kernel.3.cloned.1.call-start
scs
__scs_entry_jumppad:
0x0: {  	(pc) =	sbr.rel $0x88, $3  }
0x1: {  	(tag) =	ssettag $0x0;
	lr =	simm.s32 $0x1  }
0x2: {  	[smem:$0x3F9F] =	sst lr;
	_ =	strace $0xD0000000  }
0x3: {  	_ = 	snop  }
0x4: {  	_ = 	snop  }
0x5: {  	_ = 	snop  }
0x6: {  	_ = 	snop  }
0x7: {  	_ = 	snop  }
__scs_overlays_trampoline_lowered:
0x8: {  	[smem:$0x3FAE] =	sst s0  }
0x9: {  	[smem:$0x3FAF] =	sst s1  }
0xa: {  	[smem:$0x3FB0] =	sst s2  }
0xb: {  	[smem:$0x3FB1] =	sst s3  }
0xc: {  	[smem:$0x3FB2] =	sst s4  }
0xd: {  	[smem:$0x3FB3] =	sst s5  }
0xe: {  	[smem:$0x3FB4] =	sst s6  }
0xf: {  	[smem:$0x3FB5] =	sst s7  }
0x10: {  	[smem:$0x3FB6] =	sst s8  }
0x11: {  	[smem:$0x3FB7] =	sst s9;
	s0 =	simm.s32 @!p0 $0x0  }
0x12: {  	s1 =	sld [smem:$0x3F9D];
	s0 =	simm.s32 @p0 $0x1  }
0x13: {  	[smem:$0x3FB8] =	sst s0;
	s0 =	simm.s32 @!p1 $0x0  }
0x14: {  	s2 =	sld [smem:$0x3F9C];
	s0 =	simm.s32 @p1 $0x1  }
0x15: {  	[smem:$0x3FB9] =	sst s0;
	s0 =	simm.s32 @!p2 $0x0  }
0x16: {  	s3 =	sld [smem:$0x3FDB];
	s0 =	simm.s32 @p2 $0x1  }
0x17: {  	s4 =	simm.s32 $0x1BF5;
	[smem:$0x3FBB] =	sst s0  }
0x18: {  	s0 =	sld [smem:$0x3F9E];
	_ =	swait.ge [sflag:s4], $0x0  }
0x19: {  	s7 =	sld [smem:$0x3F9F]  }
0x1a: {  	s8 =	sadd.s32 $0xFFFFE003, lr  }
0x1b: {  	s9 =	sadd.s32 $0xFFFFFEF7, lr;
	s5 =	simm.s32 $0xFFFFFFFF;
	p2 =	slt.u32 s8, $0xFFFFF086  }
0x1c: {  	p1 =	slt.u32 s9, $0xF7A;
	s5 =	simm.s32 @!p2 $0x0  }
0x1d: {  	s5 =	simm.s32 @p1 $0x1;
	p0 =	seq.s32 s7, s2  }
0x1e: {  	s7 =	smul.u32 @!p0 $0xF7A, s2;
	p2 =	seq.s32 @!p0 s5, $0x0  }
0x1f: {  	s9 =	smul.u32 $0xF7A, s1;
	s8 =	simm.s32 @!p0 $0x1BF5;
	p2 =	por !p2, p0  }
0x20: {  	[sflag:s8] =	ssyncset.s32 @!p0 $0xFFFFF086;
	s6 =	sadd.s32 @!p0 s3, s7;
	s7 =	simm.s32 @!p0 $0x108  }
0x21: {  	s3 =	sadd.s32 s3, s9;
	s6 =	sadd.s32 @!p0 $0x88, s6;
	s7 =	simm.s32 @p2 $0x1082  }
0x22: {  	[simem:s7], [sflag:s8] =	dma.local @!p0 [hbm:s6], $0xF7A  }
0x23: {  	s9 =	sor.u32 $0xD0000000, s2;
	s6 =	simm.s32 $0x108;
	_ =	swait.ge @!p0 [sflag:s8], $0x0  }
0x24: {  	s3 =	sadd.s32 $0x88, s3;
	s6 =	simm.s32 @!p1 $0x1082;
	[sflag:s4] =	ssyncset.s32 $0xFFFFF086  }
0x25: {  	[simem:s6], [sflag:s4] =	dma.local [hbm:s3], $0xF7A  }
0x26: {  	[smem:$0x3F9F] =	sst s1;
	(tag) =	ssettag s2;
	_ =	strace s9  }
0x27: {  	s1 =	sld [smem:$0x3FAF]  }
0x28: {  	s2 =	sld [smem:$0x3FB0]  }
0x29: {  	s4 =	sld [smem:$0x3FB2]  }
0x2a: {  	p0 =	seq.s32 s5, $0x0;
	s5 =	sld [smem:$0x3FB3]  }
0x2b: {  	s6 =	sld [smem:$0x3FB4]  }
0x2c: {  	s7 =	sld [smem:$0x3FB5]  }
0x2d: {  	s3 =	simm.s32 $0x108;
	s8 =	sld [smem:$0x3FB6]  }
0x2e: {  	s3 =	simm.s32 @!p0 $0x1082;
	s9 =	sld [smem:$0x3FB7]  }
0x2f: {  	lr =	sadd.s32 s0, s3;
	s0 =	sld [smem:$0x3FAE]  }
0x30: {  	s3 =	sld [smem:$0x3FB1]  }
0x31: {  	[smem:$0x3FBA] =	sst s10  }
0x32: {  	s10 =	sld [smem:$0x3FB8];
	_ =	sdelay $0x3  }
0x33: {  	p0 =	seq.s32 s10, $0x1;
	s10 =	sld [smem:$0x3FBA];
	_ =	sdelay $0x3  }
0x34: {  	[smem:$0x3FBA] =	sst s10  }
0x35: {  	s10 =	sld [smem:$0x3FB9];
	_ =	sdelay $0x3  }
0x36: {  	p1 =	seq.s32 s10, $0x1;
	s10 =	sld [smem:$0x3FBA];
	_ =	sdelay $0x3  }
0x37: {  	[smem:$0x3FBA] =	sst s10  }
0x38: {  	s10 =	sld [smem:$0x3FBB]  }
0x39: {  	_ = 	snop;
	(pc) =	sbr.ind lr, $3  }
0x3a: {  	_ = 	snop  }
0x3b: {  	_ = 	snop  }
0x3c: {  	p2 =	seq.s32 s10, $0x1;
	s10 =	sld [smem:$0x3FBA]  }
0x3d: {  	_ =	shalt  }
0x3e: {  	_ =	shalt  }
0x3f: {  	_ =	shalt  }
0x40: {  	_ =	shalt  }
0x41: {  	_ =	shalt  }
0x42: {  	_ =	shalt  }
0x43: {  	_ =	shalt  }
0x44: {  	_ =	shalt  }
0x45: {  	_ =	shalt  }
0x46: {  	_ =	shalt  }
0x47: {  	_ =	shalt  }
0x48: {  	_ =	shalt  }
0x49: {  	_ =	shalt  }
0x4a: {  	_ =	shalt  }
0x4b: {  	_ =	shalt  }
0x4c: {  	_ =	shalt  }
0x4d: {  	_ =	shalt  }
0x4e: {  	_ =	shalt  }
0x4f: {  	_ =	shalt  }
0x50: {  	_ =	shalt  }
0x51: {  	_ =	shalt  }
0x52: {  	_ =	shalt  }
0x53: {  	_ =	shalt  }
0x54: {  	_ =	shalt  }
0x55: {  	_ =	shalt  }
0x56: {  	_ =	shalt  }
0x57: {  	_ =	shalt  }
0x58: {  	_ =	shalt  }
0x59: {  	_ =	shalt  }
0x5a: {  	_ =	shalt  }
0x5b: {  	_ =	shalt  }
0x5c: {  	_ =	shalt  }
0x5d: {  	_ =	shalt  }
0x5e: {  	_ =	shalt  }
0x5f: {  	_ =	shalt  }
0x60: {  	_ =	shalt  }
0x61: {  	_ =	shalt  }
0x62: {  	_ =	shalt  }
0x63: {  	_ =	shalt  }
0x64: {  	_ =	shalt  }
0x65: {  	_ =	shalt  }
0x66: {  	_ =	shalt  }
0x67: {  	_ =	shalt  }
0x68: {  	_ =	shalt  }
0x69: {  	_ =	shalt  }
0x6a: {  	_ =	shalt  }
0x6b: {  	_ =	shalt  }
0x6c: {  	_ =	shalt  }
0x6d: {  	_ =	shalt  }
0x6e: {  	_ =	shalt  }
0x6f: {  	_ =	shalt  }
0x70: {  	_ =	shalt  }
0x71: {  	_ =	shalt  }
0x72: {  	_ =	shalt  }
0x73: {  	_ =	shalt  }
0x74: {  	_ =	shalt  }
0x75: {  	_ =	shalt  }
0x76: {  	_ =	shalt  }
0x77: {  	_ =	shalt  }
0x78: {  	_ =	shalt  }
0x79: {  	_ =	shalt  }
0x7a: {  	_ =	shalt  }
0x7b: {  	_ =	shalt  }
0x7c: {  	_ =	shalt  }
0x7d: {  	_ =	shalt  }
0x7e: {  	_ =	shalt  }
0x7f: {  	_ =	shalt  }
0x80: {  	_ =	shalt  }
0x81: {  	_ =	shalt  }
0x82: {  	_ =	shalt  }
0x83: {  	_ =	shalt  }
0x84: {  	_ =	shalt  }
0x85: {  	_ =	shalt  }
0x86: {  	_ =	shalt  }
0x87: {  	_ =	shalt  }
.Lfunc_end0:
.L_simem_size_0:
called_computation_lowered:
.L_overlay_start_0:
0x88: {  	s2 =	sld [smem:$0x3FD9]  }
0x89: {  	s3 =	sld [smem:$0x3FFE];
	_ =	sdelay $0x1  }
0x8a: {  	s1 =	srdreg.scid  }
0x8b: {  	s0 =	sand.u32 $0x1, s1  }
0x8c: {  	s17 =	sshll.u32 s0, $0xA;
	s2 =	sadd.s32 s3, s2  }
0x8d: {  	s2 =	sadd.s32 s2, s17  }
0x8e: {  	[smem:$0x3FC6] =	sst s2  }
0x8f: {  	_ = 	snop  }
0x90: {  	s2 =	sld [smem:$0x3FC8];
	(tm) =	ssettm $0x1  }
0x91: {  	s18 =	sld [smem:$0x3FFB];
	_ =	sdelay $0x3  }
0x92: {  	_ =	strace s18  }
0x93: {  	s3 =	sld [smem:$0x3FFC];
	_ =	sdelay $0x3  }
0x94: {  	_ =	strace s3  }
0x95: {  	s3 =	sld [smem:$0x3FFD];
	_ =	sdelay $0x3  }
0x96: {  	_ =	strace s3  }
0x97: {  	_ =	strace $0x8FFFFFFF  }
0x98: {  	s19 =	sld [smem:$0x3FDB];
	_ =	sdelay $0x1  }
0x99: {  	s4 =	simm.s32 $_scs_section_size  }
0x9a: {  	s5 =	simm.s32 $_size__tile_overlayer_lowered;
	s6 =	simm.s32 $_tile_overlayer_lowered  }
0x9b: {  	s22 =	simm.s32 $0x1BFF;
	s21 =	sshll.u32 s6, $0x1;
	s3 =	sadd.s32 s4, s19  }
0x9c: {  	s7 =	simm.s32 $0x0;
	s20 =	sshll.u32 s5, $0x1;
	s5 =	sadd.s32 s21, s3  }
0x9d: {  	[timem:s7], [sflag:s22] =	dma.local [hbm:s5], s20  }
0x9e: {  	_ =	swait.ge [sflag:s22], s20  }
0x9f: {  	s4 =	ssub.s32 $0x0, s20;
	[sflag:s22] =	ssyncset.done $0x0  }
0xa0: {  	[sflag:s22] =	ssyncadd.s32 s4;
	_ =	sdelay $0x1  }
0xa1: {  	s23 =	simm.s32 $0x1B8B  }
0xa2: {  	_ =	swait.ge [sflag:s23], $0x1  }
0xa3: {  	[sflag:s23] =	ssyncset.done $0x0  }
0xa4: {  	s25 =	simm.s32 $0x1B8E;
	s24 =	sld [smem:$0x3FFE];
	[sflag:s23] =	ssyncadd.s32 $0xFFFFFFFF  }
0xa5: {  	s26 =	simm.s32 $execute0_lowered;
	[smem:$0x3FD2] =	sst s25  }
0xa6: {  	s5 =	sshll.u32 s26, $0x1;
	_ =	strace $0x80000046;
	[dreg:$0x1] =	wrdreg $0xFFFFFFFF  }
0xa7: {  	s28 =	simm.s32 $_size_execute0_lowered;
	s3 =	sadd.s32 s3, s5;
	[dreg:$0x0] =	wrdreg $0x0  }
0xa8: {  	s5 =	sshll.u32 s28, $0x1;
	[dreg:$0x2] =	wrdreg s3  }
0xa9: {  	[dreg:$0x3] =	wrdreg s5  }
0xaa: {  	[dreg:$0x4] =	wrdreg $0xC0  }
0xab: {  	_ =	task [dreg:s7], $0x5FFFF  }
0xac: {  	[dreg:$0x1] =	wrdreg $0xFFFFFFFF  }
0xad: {  	[dreg:$0x0] =	wrdreg $0x60  }
0xae: {  	[dreg:$0x2] =	wrdreg s24  }
0xaf: {  	[dreg:$0x3] =	wrdreg s2  }
0xb0: {  	[dreg:$0x4] =	wrdreg $0x9  }
0xb1: {  	_ =	task.clear_ibuf [dreg:s7], $0x5FFFF;
	_ =	strace $0x90000046  }
0xb2: {  	s29 =	simm.s32 $0x9;
	_ =	strace $0x80000048  }
0xb3: {  	_ =	swait.ge [sflag:s29], $0x1  }
0xb4: {  	[sflag:s29] =	ssyncadd.s32 $0xFFFFFFFF  }
0xb5: {  	_ =	strace $0x90000048  }
0xb6: {  	_ =	sfence  }
0xb7: {  	s30 =	sld [smem:$0x0];
	_ =	sdelay $0x2  }
0xb8: {  	s31 =	sshll.u32 s1, $0xD;
	s1 =	sshrl.u32 s1, $0x2  }
0xb9: {  	s3 =	sand.u32 $0x4000, s31;
	s1 =	sadd.s32 s1, s30  }
0xba: {  	s0 =	sor.u32 s3, s0;
	s1 =	sshll.u32 s1, $0x11  }
0xbb: {  	s0 =	sor.u32 s1, s0  }
0xbc: {  	s0 =	sadd.s32 $0x8F2B, s0  }
0xbd: {  	[sflag:s0] =	ssyncadd.remote.s32 $0x1  }
0xbe: {  	_ =	sfence.sel $0xFFFF  }
0xbf: {  	[dreg:$0x0] =	wrdreg $0xFFFFFFFF;
	(pc) =	sbr.abs _section_cstart, $3  }
0xc0: {  	[dreg:$0x1] =	wrdreg $0xFFFFFFFF  }
0xc1: {  	_ =	task.clear_ibuf [dreg:s7], $0x2FFFF;
	_ =	strace $0x9FFFFFFF  }
0xc2: {  	(tm) =	ssettm $0x7FFFFFFF  }
0xc3: {  	_ =	shalt  }
tec
execute0_lowered:
.L_overlay_start_1:
0x0: {  	(tag) =	ssettag $0x1  }
0x1: {  	s1 =	srdreg.scid  }
0x2: {  	s5 =	rddreg [dreg:$0x0];
	s0 =	stileid.u32;
	s6 =	sand.u32 $0x1, s1  }
0x3: {  	s3 =	rddreg [dreg:$0x1];
	s4 =	sshll.u32 s0, $0x8;
	s7 =	sshll.u32 s6, $0x7  }
0x4: {  	s2 =	simm.s32 $0x0;
	s1 =	rddreg [dreg:$0x2];
	s7 =	sor.u32 s7, s4  }
0x5: {  	[smem:$0x7FF] =	sst s2;
	s8 =	sshrl.u32 s7, $0x3  }
0x6: {  	_ =	strace $0x80000047;
	s4 =	sadd.s32 s3, s8;
	s3 =	simm.s32 $0x2  }
0x7: {  	[tilespmem:s2], [sflag:$0x2] =	stream.linear.gather [hbm4b:s4+s2], $0x80, $0x38;
	[tilespmem:$0x180] =	vst v63  }
0x8: {  	_ =	swait.ge [sflag:s3], $0x80  }
0x9: {  	[sflag:s3] =	ssyncset.done $0x0  }
0xa: {  	[sflag:s3] =	ssyncadd.s32 $0xFFFFFF80  }
0xb: {  	v1 =	vld [tilespmem:$0x50]  }
0xc: {  	v2 =	vld [tilespmem:$0x30]  }
0xd: {  	v3 =	vld [tilespmem:$0x20]  }
0xe: {  	s6 =	ssub.s32 $0x2, s6;
	v4 =	vld [tilespmem:$0x10]  }
0xf: {  	v7 =	vlaneseq.u32;
	s28 =	sshrl.u32 s6, $0x1;
	s9 =	sor.u32 $0x50, s7;
	v5 =	vld [tilespmem:$0x40]  }
0x10: {  	s10 =	sor.u32 $0x30, s7;
	s6 =	ssub.s32 s6, s28;
	v0 =	vor.u32 s9, v7;
	v6 =	vld [tilespmem:$0x0];
	v8 =	vshll.u32 v1, $0xC  }
0x11: {  	s25 =	sor.u32 $0x20, s7;
	s11 =	smax.u32 s6, $0x1;
	v10 =	vld [tilespmem:$0x60];
	v1 =	vor.u32 s10, v7;
	v9 =	vshll.u32 v2, $0xC;
	v8 =	vor.u32 v0, v8  }
0x12: {  	s26 =	sor.u32 $0x10, s7;
	p0 =	sne.s32 s11, $0x1;
	v12 =	vld [tilespmem:$0x70];
	v2 =	vor.u32 s25, v7;
	v11 =	vshll.u32 v3, $0xC;
	v9 =	vor.u32 v1, v9;
	[tilespmem:$0xD0] =	vst v8  }
.Ltmp0:
0x13: {  	s29 =	sor.u32 $0x40, s7;
	v3 =	vor.u32 s26, v7;
	v11 =	vor.u32 v2, v11;
	v8 =	vshll.u32 v4, $0xC;
	[tilespmem:$0xB0] =	vst v9;
	(pc) =	sbr.rel @!p0 .LBB2_2-.Ltmp0, $4  }
0x14: {  	v4 =	vor.u32 s29, v7;
	[tilespmem:$0xA0] =	vst v11;
	v9 =	vshll.u32 v5, $0xC;
	v8 =	vor.u32 v3, v8  }
0x15: {  	s30 =	sor.u32 $0x60, s7;
	s31 =	sor.u32 $0x70, s7;
	s8 =	sadd.s32 s8, s5;
	v5 =	vor.u32 s7, v7;
	v11 =	vshll.u32 v6, $0xC;
	[tilespmem:$0x90] =	vst v8;
	v8 =	vor.u32 v4, v9  }
0x16: {  	s5 =	sadd.s32 $0x400, s5;
	s9 =	simm.s32 $0x1;
	s6 =	sadd.s32 $0x7D400, s8;
	v6 =	vor.u32 s30, v7;
	v9 =	vor.u32 v5, v11;
	[tilespmem:$0xC0] =	vst v8;
	v8 =	vshll.u32 v10, $0xC  }
0x17: {  	s8 =	simm.s32 $0x100;
	s10 =	sadd.s32 $0xFFFFFFFF, s11;
	s7 =	simm.s32 $0x80;
	v7 =	vor.u32 s31, v7;
	[tilespmem:$0x80] =	vst v9;
	v9 =	vshll.u32 v12, $0xC;
	v8 =	vor.u32 v6, v8  }
.LBB2_1:
0x18: {  	p0 =	sne.s32 s10, $0x1;
	s10 =	sadd.s32 $0xFFFFFFFF, s10;
	[tilespmem:$0xE0] =	vst v8;
	v8 =	vor.u32 v7, v9  }
0x19: {  	[tilespmem:$0xF0] =	vst v8  }
0x1a: {  	[tilespmem:s8], [sflag:$0x1] =	stream.indirect.gather [hbm4b:s5+s7], $0x1, s7, s7, $0xb8;
	[tilespmem:$0x180] =	vst v63  }
0x1b: {  	_ =	swait.ge [sflag:s9], $0x80  }
0x1c: {  	[sflag:s9] =	ssyncset.done $0x0  }
0x1d: {  	[sflag:s9] =	ssyncadd.s32 $0xFFFFFF80  }
0x1e: {  	[hbm4b:s6+s2] =	stream.linear.scatter [tilespmem:s8], [sflag:$0x2], $0x80, $0x38;
	[tilespmem:$0x180] =	vst v63  }
0x1f: {  	_ =	swait.ge [sflag:s3], $0x80  }
0x20: {  	[sflag:s3] =	ssyncset.done $0x0  }
0x21: {  	[sflag:s3] =	ssyncadd.s32 $0xFFFFFF80  }
0x22: {  	[tilespmem:s2], [sflag:$0x2] =	stream.linear.gather [hbm4b:s4+s2], $0x80, $0x38;
	[tilespmem:$0x180] =	vst v63  }
0x23: {  	_ =	swait.ge [sflag:s3], $0x80  }
0x24: {  	[sflag:s3] =	ssyncset.done $0x0  }
0x25: {  	[sflag:s3] =	ssyncadd.s32 $0xFFFFFF80  }
0x26: {  	v8 =	vld [tilespmem:$0x50]  }
0x27: {  	v9 =	vld [tilespmem:$0x30]  }
0x28: {  	v10 =	vld [tilespmem:$0x20]  }
0x29: {  	v11 =	vld [tilespmem:$0x10]  }
0x2a: {  	v12 =	vld [tilespmem:$0x40]  }
0x2b: {  	v13 =	vld [tilespmem:$0x0];
	v8 =	vshll.u32 v8, $0xC  }
0x2c: {  	v9 =	vshll.u32 v9, $0xC;
	v8 =	vor.u32 v0, v8;
	v14 =	vld [tilespmem:$0x60]  }
0x2d: {  	v10 =	vshll.u32 v10, $0xC;
	v9 =	vor.u32 v1, v9;
	[tilespmem:$0xD0] =	vst v8;
	v15 =	vld [tilespmem:$0x70]  }
.Ltmp1:
0x2e: {  	v8 =	vshll.u32 v11, $0xC;
	v10 =	vor.u32 v2, v10;
	[tilespmem:$0xB0] =	vst v9;
	(pc) =	sbr.rel @p0 .LBB2_1-.Ltmp1, $4  }
0x2f: {  	v8 =	vor.u32 v3, v8;
	[tilespmem:$0xA0] =	vst v10;
	v9 =	vshll.u32 v12, $0xC  }
0x30: {  	v10 =	vshll.u32 v13, $0xC;
	[tilespmem:$0x90] =	vst v8;
	v8 =	vor.u32 v4, v9  }
0x31: {  	v9 =	vor.u32 v5, v10;
	[tilespmem:$0xC0] =	vst v8;
	v8 =	vshll.u32 v14, $0xC  }
0x32: {  	[tilespmem:$0x80] =	vst v9;
	v8 =	vor.u32 v6, v8;
	v9 =	vshll.u32 v15, $0xC  }
.LBB2_2:
0x33: {  	[tilespmem:$0xE0] =	vst v8;
	v0 =	vor.u32 v7, v9  }
0x34: {  	[tilespmem:$0xF0] =	vst v0  }
0x35: {  	[tilespmem:s8], [sflag:$0x1] =	stream.indirect.gather [hbm4b:s5+s7], $0x1, s7, s7, $0xb8;
	[tilespmem:$0x180] =	vst v63  }
0x36: {  	_ =	swait.ge [sflag:s9], $0x80  }
0x37: {  	[sflag:s9] =	ssyncset.done $0x0  }
0x38: {  	[sflag:s9] =	ssyncadd.s32 $0xFFFFFF80  }
0x39: {  	[hbm4b:s6+s2] =	stream.linear.scatter [tilespmem:s8], [sflag:$0x2], $0x80, $0x38;
	[tilespmem:$0x180] =	vst v63  }
0x3a: {  	_ =	swait.ge [sflag:s3], $0x80  }
0x3b: {  	[sflag:s3] =	ssyncset.done $0x0  }
0x3c: {  	[sflag:s3] =	ssyncadd.s32 $0xFFFFFF80  }
0x3d: {  	_ =	sfence.sel $0x180000  }
0x3e: {  	[bflag:$0x0] =	sbarrier.arrive $0xFFFF  }
0x3f: {  	p0 =	sne.s32 s0, $0x0;
	_ =	strace $0x90000047  }
0x40: {  	s0 =	sadd.s32 @!p0 $0x100000, s1;
	[bflag:$0x2] =	sbarrier.arrive $0xFFFF  }
0x41: {  	[sflag:s0] =	ssyncadd.tile.s32 @!p0 $0x1;
	_ =	shalt  }
.Lfunc_end2:
_tile_overlayer_lowered:
.L_overlay_start_2:
0x42: {  	(tag) =	ssettag $0x2  }
0x43: {  	s0 =	rddreg [dreg:$0x0];
	s2 =	stileid.u32  }
0x44: {  	s1 =	rddreg [dreg:$0x1];
	p0 =	sne.s32 s2, $0x0  }
0x45: {  	s3 =	rddreg [dreg:$0x2];
	[bflag:$0x3] =	sbarrier.arrive $0xFFFF;
	s2 =	simm.s32 @!p0 $0x1C02  }
0x46: {  	[timem:s3], [sflag:s2] =	dma.local @!p0 [hbm:s0], s1  }
0x47: {  	s0 =	simm.s32 @!p0 $0x2  }
0x48: {  	_ =	swait.ge @!p0 [sflag:s0], s1  }
0x49: {  	s1 =	ssub.s32 @!p0 $0x0, s1;
	[sflag:s0] =	ssyncset.done @!p0 $0x0  }
0x4a: {  	[sflag:s0] =	ssyncadd.s32 @!p0 s1  }
0x4b: {  	[bflag:$0x3] =	sbarrier.arrive $0xFFFF  }
0x4c: {  	_ =	shalt  }

</sc_bundles>
